<compile_context>
chip_gen: v7x
topology: tpu7x:2x2x1
jax: 0.10.2.dev20260603
libtpu: 0.0.44.dev20260713+nightly
codegen_flags: <defaults>
</compile_context>

<pallas_src>
import functools

import jax
import jax.numpy as jnp
from jax import lax
from jax.experimental import pallas as pl
from jax.experimental.pallas import tpu as pltpu
from jax.experimental.pallas import tpu_sc as plsc

N_COMP = 64
ROWS = 16384
NC, NS, LANES = 2, 16, 16
NW = NC * NS
ROWS_W = ROWS // NW
GRID = 2
BROWS = 16


BLK = ROWS // GRID


def _prep_body(zc_ref, conf_ref, arg_ref):
    x = zc_ref[...]
    m = jnp.max(x, axis=1, keepdims=True)
    iot = lax.broadcasted_iota(jnp.int32, (BLK, N_COMP), 1)
    a = jnp.min(jnp.where(x == m, iot, N_COMP), axis=1)
    conf_ref[...] = m.reshape(BLK // 128, 128)
    arg_ref[...] = a.reshape(BLK // 128, 128)


_prep = pl.pallas_call(
    _prep_body,
    grid=(GRID,),
    in_specs=[pl.BlockSpec((BLK, N_COMP), lambda i: (i, 0))],
    out_specs=(
        pl.BlockSpec((BLK // 128, 128), lambda i: (i, 0)),
        pl.BlockSpec((BLK // 128, 128), lambda i: (i, 0)),
    ),
    out_shape=(
        jax.ShapeDtypeStruct((128, 128), jnp.float32),
        jax.ShapeDtypeStruct((128, 128), jnp.int32),
    ),
)


@functools.partial(
    pl.kernel,
    out_type=(
        jax.ShapeDtypeStruct((NW, N_COMP), jnp.float32),
        jax.ShapeDtypeStruct((NW, LANES), jnp.float32),
    ),
    mesh=plsc.VectorSubcoreMesh(
        core_axis_name="c", subcore_axis_name="s",
        num_cores=NC, num_subcores=NS,
    ),
    scratch_types=(
        pltpu.VMEM((ROWS_W // 128, 128), jnp.float32),
        pltpu.VMEM((ROWS_W // 128, 128), jnp.int32),
        pltpu.VMEM((N_COMP,), jnp.float32),
        pltpu.VMEM((LANES,), jnp.float32),
        pltpu.SemaphoreType.DMA,
        pltpu.SemaphoreType.DMA,
    ),
    compiler_params=pltpu.CompilerParams(needs_layout_passes=False),
)
def _sc_hist(conf_hbm, arg_hbm, pop_hbm, confp_hbm,
             cbuf, abuf, pop, confv, sem_c, sem_a):
    wid = lax.axis_index("s") * NC + lax.axis_index("c")
    r4 = wid * (ROWS_W // 128)
    cpa = pltpu.async_copy(
        arg_hbm.at[pl.ds(r4, ROWS_W // 128), :], abuf, sem_a)
    cpc = pltpu.async_copy(
        conf_hbm.at[pl.ds(r4, ROWS_W // 128), :], cbuf, sem_c)

    zeros16 = jnp.zeros((LANES,), jnp.float32)
    for k in range(N_COMP // LANES):
        pop[pl.ds(k * LANES, LANES)] = zeros16
    ones16 = jnp.ones((LANES,), jnp.float32)

    cpa.wait()
    for t in range(ROWS_W // LANES):
        idx = abuf[t // 8, pl.ds((t % 8) * LANES, LANES)]
        plsc.store_scatter(pop, [idx], ones16)
    cpc.wait()
    acc = zeros16
    for t in range(ROWS_W // LANES):
        acc = acc + cbuf[t // 8, pl.ds((t % 8) * LANES, LANES)]
    confv[...] = acc
    pltpu.sync_copy(pop, pop_hbm.at[wid])
    pltpu.sync_copy(confv, confp_hbm.at[wid])


def _merge_body(pop_ref, conf_ref, np_ref, cm_ref):
    present = jnp.max(pop_ref[...], axis=0, keepdims=True)
    num_pop = jnp.sum(jnp.where(present > 0.0, 1.0, 0.0))
    np_ref[...] = num_pop.reshape(1, 1)
    cm_ref[...] = (jnp.sum(conf_ref[...]) * (1.0 / ROWS)).reshape(1, 1)


_merge = pl.pallas_call(
    _merge_body,
    out_shape=(
        jax.ShapeDtypeStruct((1, 1), jnp.float32),
        jax.ShapeDtypeStruct((1, 1), jnp.float32),
    ),
)


def kernel(z, z_cat):
    conf2, arg2 = _prep(z_cat)
    pop_part, conf_part = _sc_hist(conf2, arg2)
    num_pop, conf_mean = _merge(pop_part, conf_part)
    return (z, num_pop[0, 0], conf_mean[0, 0])

# --- scband reference (transcript-rebuilt; emitter-appended) ---
"""Pipeline reference for scband-cluster-control-pt-40166534152275 (READ-ONLY COPY).

The authoritative reference and input builder live on the scoring server;
editing this copy changes nothing except your own understanding.
"""

import jax, jax.numpy as jnp
import numpy as np

N_COMPONENTS = 64

def setup_inputs(seed: int = 0) -> dict:
    key = jax.random.key(seed)
    k1, k2 = jax.random.split(key)
    z = jax.random.normal(k1, (16384, 128), dtype=jnp.float32)
    z_cat = jax.random.uniform(k2, (16384, N_COMPONENTS), dtype=jnp.float32)
    return {"z": z, "z_cat": z_cat}

def reference(z, z_cat):
    # confidence, hard_groups = torch.max(z_cat, dim=1)
    confidence = jnp.max(z_cat, axis=1)
    hard_groups = jnp.argmax(z_cat, axis=1)
    # num_populated = torch.unique(hard_groups).numel()
    # jit-safe equivalent: count nonzero bins of a fixed-length histogram
    bins = jnp.bincount(hard_groups, length=N_COMPONENTS)
    num_populated = jnp.sum(bins > 0).astype(jnp.float32)
    conf_mean = jnp.mean(confidence)
    # returns (z, metrics) -> flatten metrics dict values into tuple
    return (z, num_populated, conf_mean)

if __name__ == "__main__":
    import jax
    _d = setup_inputs()
    print(jax.jit(kernel)(*tuple(_d.values())))

</pallas_src>

<mosaic_0001>
#map = affine_map<(d0, d1) -> (0, 0)>
module attributes {stable_mosaic.version = 14 : i64} {
  func.func @_sc_hist(%arg0: i32, %arg1: i32, %arg2: memref<128x128xf32, #tpu.memory_space<hbm>>, %arg3: memref<128x128xi32, #tpu.memory_space<hbm>>, %arg4: memref<32x64xf32, #tpu.memory_space<hbm>>, %arg5: memref<32x16xf32, #tpu.memory_space<hbm>>, %arg6: memref<4x128xf32, #tpu.memory_space<vmem>>, %arg7: memref<4x128xi32, #tpu.memory_space<vmem>>, %arg8: memref<64xf32, #tpu.memory_space<vmem>>, %arg9: memref<16xf32, #tpu.memory_space<vmem>>, %arg10: memref<!tpu.dma_semaphore, #tpu.memory_space<semaphore_mem>>, %arg11: memref<!tpu.dma_semaphore, #tpu.memory_space<semaphore_mem>>) attributes {dimension_semantics = [#tpu.dimension_semantics<core_parallel>, #tpu.dimension_semantics<subcore_parallel>], iteration_bounds = array<i64: 2, 16>, scalar_prefetch = 0 : i64, scratch_operands = 6 : i64, tpu.core_type = #tpu.core_type<sc_vector_subcore>, window_params = [{transform_indices = #map}, {transform_indices = #map}, {transform_indices = #map}, {transform_indices = #map}]} {
    %mul3A = arith.constant 2 : i32
    %mul3A_0 = arith.muli %arg1, %mul3A : i32
    %add3A = arith.addi %mul3A_0, %arg0 : i32
    %mul3A_1 = arith.constant 4 : i32
    %mul3A_2 = arith.muli %add3A, %mul3A_1 : i32
    %dma_start3A = arith.constant 0 : i32
    %dma_start3A_3 = tpu.memref_slice %arg3[%mul3A_2, %dma_start3A] : memref<128x128xi32, #tpu.memory_space<hbm>> -> memref<4x128xi32, #tpu.memory_space<hbm>>
    %dma_start3A_4 = arith.constant 0 : i32
    %dma_start3A_5 = tpu.memref_slice %arg3[%mul3A_2, %dma_start3A_4] : memref<128x128xi32, #tpu.memory_space<hbm>> -> memref<4x128xi32, #tpu.memory_space<hbm>>
    tpu.enqueue_dma source(%dma_start3A_5 : memref<4x128xi32, #tpu.memory_space<hbm>>) target(%arg7 : memref<4x128xi32, #tpu.memory_space<vmem>>) target_semaphore(%arg11 : memref<!tpu.dma_semaphore, #tpu.memory_space<semaphore_mem>>)
    %dma_start3A_6 = arith.constant 0 : i32
    %dma_start3A_7 = tpu.memref_slice %arg2[%mul3A_2, %dma_start3A_6] : memref<128x128xf32, #tpu.memory_space<hbm>> -> memref<4x128xf32, #tpu.memory_space<hbm>>
    %dma_start3A_8 = arith.constant 0 : i32
    %dma_start3A_9 = tpu.memref_slice %arg2[%mul3A_2, %dma_start3A_8] : memref<128x128xf32, #tpu.memory_space<hbm>> -> memref<4x128xf32, #tpu.memory_space<hbm>>
    tpu.enqueue_dma source(%dma_start3A_9 : memref<4x128xf32, #tpu.memory_space<hbm>>) target(%arg6 : memref<4x128xf32, #tpu.memory_space<vmem>>) target_semaphore(%arg10 : memref<!tpu.dma_semaphore, #tpu.memory_space<semaphore_mem>>)
    %broadcast_in_dim3A = arith.constant 0.000000e+00 : f32
    %broadcast_in_dim3A_10 = vector.broadcast %broadcast_in_dim3A : f32 to vector<16xf32>
    %swap3A = arith.constant 0 : index
    %swap3A_11 = tpu.vector_load %arg8[%swap3A] {strides = array<i32>} : memref<64xf32, #tpu.memory_space<vmem>>, vector<16xf32>,
    tpu.vector_store %arg8[%swap3A], %broadcast_in_dim3A_10 {strides = array<i32>} : memref<64xf32, #tpu.memory_space<vmem>>, vector<16xf32>,
    %swap3A_12 = arith.constant 16 : index
    %swap3A_13 = tpu.vector_load %arg8[%swap3A_12] {strides = array<i32>} : memref<64xf32, #tpu.memory_space<vmem>>, vector<16xf32>,
    tpu.vector_store %arg8[%swap3A_12], %broadcast_in_dim3A_10 {strides = array<i32>} : memref<64xf32, #tpu.memory_space<vmem>>, vector<16xf32>,
    %swap3A_14 = arith.constant 32 : index
    %swap3A_15 = tpu.vector_load %arg8[%swap3A_14] {strides = array<i32>} : memref<64xf32, #tpu.memory_space<vmem>>, vector<16xf32>,
    tpu.vector_store %arg8[%swap3A_14], %broadcast_in_dim3A_10 {strides = array<i32>} : memref<64xf32, #tpu.memory_space<vmem>>, vector<16xf32>,
    %swap3A_16 = arith.constant 48 : index
    %swap3A_17 = tpu.vector_load %arg8[%swap3A_16] {strides = array<i32>} : memref<64xf32, #tpu.memory_space<vmem>>, vector<16xf32>,
    tpu.vector_store %arg8[%swap3A_16], %broadcast_in_dim3A_10 {strides = array<i32>} : memref<64xf32, #tpu.memory_space<vmem>>, vector<16xf32>,
    %broadcast_in_dim3A_18 = arith.constant 1.000000e+00 : f32
    %broadcast_in_dim3A_19 = vector.broadcast %broadcast_in_dim3A_18 : f32 to vector<16xf32>
    %dma_wait3A = arith.constant 0 : i32
    %dma_wait3A_20 = tpu.memref_slice %arg3[%mul3A_2, %dma_wait3A] : memref<128x128xi32, #tpu.memory_space<hbm>> -> memref<4x128xi32, #tpu.memory_space<hbm>>
    %dma_wait3A_21 = arith.constant 0 : i32
    %dma_wait3A_22 = tpu.memref_slice %arg3[%mul3A_2, %dma_wait3A_21] : memref<128x128xi32, #tpu.memory_space<hbm>> -> memref<4x128xi32, #tpu.memory_space<hbm>>
    tpu.wait_dma2 semaphore(%arg11 : memref<!tpu.dma_semaphore, #tpu.memory_space<semaphore_mem>>) src(%dma_wait3A_22 : memref<4x128xi32, #tpu.memory_space<hbm>>) dst(%arg7 : memref<4x128xi32, #tpu.memory_space<vmem>>)
    %get3A = arith.constant 0 : i32
    %get3A_23 = arith.index_cast %get3A : i32 to index
    %get3A_24 = arith.constant 0 : index
    %get3A_25 = tpu.vector_load %arg7[%get3A_23, %get3A_24] {strides = array<i32>} : memref<4x128xi32, #tpu.memory_space<vmem>>, vector<16xi32>,
    tpu.vector_store_idx %arg8[%get3A_25], %broadcast_in_dim3A_19 : memref<64xf32, #tpu.memory_space<vmem>>[vector<16xi32>], vector<16xf32>,
    %get3A_26 = arith.constant 0 : i32
    %get3A_27 = arith.index_cast %get3A_26 : i32 to index
    %get3A_28 = arith.constant 16 : index
    %get3A_29 = tpu.vector_load %arg7[%get3A_27, %get3A_28] {strides = array<i32>} : memref<4x128xi32, #tpu.memory_space<vmem>>, vector<16xi32>,
    tpu.vector_store_idx %arg8[%get3A_29], %broadcast_in_dim3A_19 : memref<64xf32, #tpu.memory_space<vmem>>[vector<16xi32>], vector<16xf32>,
    %get3A_30 = arith.constant 0 : i32
    %get3A_31 = arith.index_cast %get3A_30 : i32 to index
    %get3A_32 = arith.constant 32 : index
    %get3A_33 = tpu.vector_load %arg7[%get3A_31, %get3A_32] {strides = array<i32>} : memref<4x128xi32, #tpu.memory_space<vmem>>, vector<16xi32>,
    tpu.vector_store_idx %arg8[%get3A_33], %broadcast_in_dim3A_19 : memref<64xf32, #tpu.memory_space<vmem>>[vector<16xi32>], vector<16xf32>,
    %get3A_34 = arith.constant 0 : i32
    %get3A_35 = arith.index_cast %get3A_34 : i32 to index
    %get3A_36 = arith.constant 48 : index
    %get3A_37 = tpu.vector_load %arg7[%get3A_35, %get3A_36] {strides = array<i32>} : memref<4x128xi32, #tpu.memory_space<vmem>>, vector<16xi32>,
    tpu.vector_store_idx %arg8[%get3A_37], %broadcast_in_dim3A_19 : memref<64xf32, #tpu.memory_space<vmem>>[vector<16xi32>], vector<16xf32>,
    %get3A_38 = arith.constant 0 : i32
    %get3A_39 = arith.index_cast %get3A_38 : i32 to index
    %get3A_40 = arith.constant 64 : index
    %get3A_41 = tpu.vector_load %arg7[%get3A_39, %get3A_40] {strides = array<i32>} : memref<4x128xi32, #tpu.memory_space<vmem>>, vector<16xi32>,
    tpu.vector_store_idx %arg8[%get3A_41], %broadcast_in_dim3A_19 : memref<64xf32, #tpu.memory_space<vmem>>[vector<16xi32>], vector<16xf32>,
    %get3A_42 = arith.constant 0 : i32
    %get3A_43 = arith.index_cast %get3A_42 : i32 to index
    %get3A_44 = arith.constant 80 : index
    %get3A_45 = tpu.vector_load %arg7[%get3A_43, %get3A_44] {strides = array<i32>} : memref<4x128xi32, #tpu.memory_space<vmem>>, vector<16xi32>,
    tpu.vector_store_idx %arg8[%get3A_45], %broadcast_in_dim3A_19 : memref<64xf32, #tpu.memory_space<vmem>>[vector<16xi32>], vector<16xf32>,
    %get3A_46 = arith.constant 0 : i32
    %get3A_47 = arith.index_cast %get3A_46 : i32 to index
    %get3A_48 = arith.constant 96 : index
    %get3A_49 = tpu.vector_load %arg7[%get3A_47, %get3A_48] {strides = array<i32>} : memref<4x128xi32, #tpu.memory_space<vmem>>, vector<16xi32>,
    tpu.vector_store_idx %arg8[%get3A_49], %broadcast_in_dim3A_19 : memref<64xf32, #tpu.memory_space<vmem>>[vector<16xi32>], vector<16xf32>,
    %get3A_50 = arith.constant 0 : i32
    %get3A_51 = arith.index_cast %get3A_50 : i32 to index
    %get3A_52 = arith.constant 112 : index
    %get3A_53 = tpu.vector_load %arg7[%get3A_51, %get3A_52] {strides = array<i32>} : memref<4x128xi32, #tpu.memory_space<vmem>>, vector<16xi32>,
    tpu.vector_store_idx %arg8[%get3A_53], %broadcast_in_dim3A_19 : memref<64xf32, #tpu.memory_space<vmem>>[vector<16xi32>], vector<16xf32>,
    %get3A_54 = arith.constant 1 : i32
    %get3A_55 = arith.index_cast %get3A_54 : i32 to index
    %get3A_56 = arith.constant 0 : index
    %get3A_57 = tpu.vector_load %arg7[%get3A_55, %get3A_56] {strides = array<i32>} : memref<4x128xi32, #tpu.memory_space<vmem>>, vector<16xi32>,
    tpu.vector_store_idx %arg8[%get3A_57], %broadcast_in_dim3A_19 : memref<64xf32, #tpu.memory_space<vmem>>[vector<16xi32>], vector<16xf32>,
    %get3A_58 = arith.constant 1 : i32
    %get3A_59 = arith.index_cast %get3A_58 : i32 to index
    %get3A_60 = arith.constant 16 : index
    %get3A_61 = tpu.vector_load %arg7[%get3A_59, %get3A_60] {strides = array<i32>} : memref<4x128xi32, #tpu.memory_space<vmem>>, vector<16xi32>,
    tpu.vector_store_idx %arg8[%get3A_61], %broadcast_in_dim3A_19 : memref<64xf32, #tpu.memory_space<vmem>>[vector<16xi32>], vector<16xf32>,
    %get3A_62 = arith.constant 1 : i32
    %get3A_63 = arith.index_cast %get3A_62 : i32 to index
    %get3A_64 = arith.constant 32 : index
    %get3A_65 = tpu.vector_load %arg7[%get3A_63, %get3A_64] {strides = array<i32>} : memref<4x128xi32, #tpu.memory_space<vmem>>, vector<16xi32>,
    tpu.vector_store_idx %arg8[%get3A_65], %broadcast_in_dim3A_19 : memref<64xf32, #tpu.memory_space<vmem>>[vector<16xi32>], vector<16xf32>,
    %get3A_66 = arith.constant 1 : i32
    %get3A_67 = arith.index_cast %get3A_66 : i32 to index
    %get3A_68 = arith.constant 48 : index
    %get3A_69 = tpu.vector_load %arg7[%get3A_67, %get3A_68] {strides = array<i32>} : memref<4x128xi32, #tpu.memory_space<vmem>>, vector<16xi32>,
    tpu.vector_store_idx %arg8[%get3A_69], %broadcast_in_dim3A_19 : memref<64xf32, #tpu.memory_space<vmem>>[vector<16xi32>], vector<16xf32>,
    %get3A_70 = arith.constant 1 : i32
    %get3A_71 = arith.index_cast %get3A_70 : i32 to index
    %get3A_72 = arith.constant 64 : index
    %get3A_73 = tpu.vector_load %arg7[%get3A_71, %get3A_72] {strides = array<i32>} : memref<4x128xi32, #tpu.memory_space<vmem>>, vector<16xi32>,
    tpu.vector_store_idx %arg8[%get3A_73], %broadcast_in_dim3A_19 : memref<64xf32, #tpu.memory_space<vmem>>[vector<16xi32>], vector<16xf32>,
    %get3A_74 = arith.constant 1 : i32
    %get3A_75 = arith.index_cast %get3A_74 : i32 to index
    %get3A_76 = arith.constant 80 : index
    %get3A_77 = tpu.vector_load %arg7[%get3A_75, %get3A_76] {strides = array<i32>} : memref<4x128xi32, #tpu.memory_space<vmem>>, vector<16xi32>,
    tpu.vector_store_idx %arg8[%get3A_77], %broadcast_in_dim3A_19 : memref<64xf32, #tpu.memory_space<vmem>>[vector<16xi32>], vector<16xf32>,
    %get3A_78 = arith.constant 1 : i32
    %get3A_79 = arith.index_cast %get3A_78 : i32 to index
    %get3A_80 = arith.constant 96 : index
    %get3A_81 = tpu.vector_load %arg7[%get3A_79, %get3A_80] {strides = array<i32>} : memref<4x128xi32, #tpu.memory_space<vmem>>, vector<16xi32>,
    tpu.vector_store_idx %arg8[%get3A_81], %broadcast_in_dim3A_19 : memref<64xf32, #tpu.memory_space<vmem>>[vector<16xi32>], vector<16xf32>,
    %get3A_82 = arith.constant 1 : i32
    %get3A_83 = arith.index_cast %get3A_82 : i32 to index
    %get3A_84 = arith.constant 112 : index
    %get3A_85 = tpu.vector_load %arg7[%get3A_83, %get3A_84] {strides = array<i32>} : memref<4x128xi32, #tpu.memory_space<vmem>>, vector<16xi32>,
    tpu.vector_store_idx %arg8[%get3A_85], %broadcast_in_dim3A_19 : memref<64xf32, #tpu.memory_space<vmem>>[vector<16xi32>], vector<16xf32>,
    %get3A_86 = arith.constant 2 : i32
    %get3A_87 = arith.index_cast %get3A_86 : i32 to index
    %get3A_88 = arith.constant 0 : index
    %get3A_89 = tpu.vector_load %arg7[%get3A_87, %get3A_88] {strides = array<i32>} : memref<4x128xi32, #tpu.memory_space<vmem>>, vector<16xi32>,
    tpu.vector_store_idx %arg8[%get3A_89], %broadcast_in_dim3A_19 : memref<64xf32, #tpu.memory_space<vmem>>[vector<16xi32>], vector<16xf32>,
    %get3A_90 = arith.constant 2 : i32
    %get3A_91 = arith.index_cast %get3A_90 : i32 to index
    %get3A_92 = arith.constant 16 : index
    %get3A_93 = tpu.vector_load %arg7[%get3A_91, %get3A_92] {strides = array<i32>} : memref<4x128xi32, #tpu.memory_space<vmem>>, vector<16xi32>,
    tpu.vector_store_idx %arg8[%get3A_93], %broadcast_in_dim3A_19 : memref<64xf32, #tpu.memory_space<vmem>>[vector<16xi32>], vector<16xf32>,
    %get3A_94 = arith.constant 2 : i32
    %get3A_95 = arith.index_cast %get3A_94 : i32 to index
    %get3A_96 = arith.constant 32 : index
    %get3A_97 = tpu.vector_load %arg7[%get3A_95, %get3A_96] {strides = array<i32>} : memref<4x128xi32, #tpu.memory_space<vmem>>, vector<16xi32>,
    tpu.vector_store_idx %arg8[%get3A_97], %broadcast_in_dim3A_19 : memref<64xf32, #tpu.memory_space<vmem>>[vector<16xi32>], vector<16xf32>,
    %get3A_98 = arith.constant 2 : i32
    %get3A_99 = arith.index_cast %get3A_98 : i32 to index
    %get3A_100 = arith.constant 48 : index
    %get3A_101 = tpu.vector_load %arg7[%get3A_99, %get3A_100] {strides = array<i32>} : memref<4x128xi32, #tpu.memory_space<vmem>>, vector<16xi32>,
    tpu.vector_store_idx %arg8[%get3A_101], %broadcast_in_dim3A_19 : memref<64xf32, #tpu.memory_space<vmem>>[vector<16xi32>], vector<16xf32>,
    %get3A_102 = arith.constant 2 : i32
    %get3A_103 = arith.index_cast %get3A_102 : i32 to index
    %get3A_104 = arith.constant 64 : index
    %get3A_105 = tpu.vector_load %arg7[%get3A_103, %get3A_104] {strides = array<i32>} : memref<4x128xi32, #tpu.memory_space<vmem>>, vector<16xi32>,
    tpu.vector_store_idx %arg8[%get3A_105], %broadcast_in_dim3A_19 : memref<64xf32, #tpu.memory_space<vmem>>[vector<16xi32>], vector<16xf32>,
    %get3A_106 = arith.constant 2 : i32
    %get3A_107 = arith.index_cast %get3A_106 : i32 to index
    %get3A_108 = arith.constant 80 : index
    %get3A_109 = tpu.vector_load %arg7[%get3A_107, %get3A_108] {strides = array<i32>} : memref<4x128xi32, #tpu.memory_space<vmem>>, vector<16xi32>,
    tpu.vector_store_idx %arg8[%get3A_109], %broadcast_in_dim3A_19 : memref<64xf32, #tpu.memory_space<vmem>>[vector<16xi32>], vector<16xf32>,
    %get3A_110 = arith.constant 2 : i32
    %get3A_111 = arith.index_cast %get3A_110 : i32 to index
    %get3A_112 = arith.constant 96 : index
    %get3A_113 = tpu.vector_load %arg7[%get3A_111, %get3A_112] {strides = array<i32>} : memref<4x128xi32, #tpu.memory_space<vmem>>, vector<16xi32>,
    tpu.vector_store_idx %arg8[%get3A_113], %broadcast_in_dim3A_19 : memref<64xf32, #tpu.memory_space<vmem>>[vector<16xi32>], vector<16xf32>,
    %get3A_114 = arith.constant 2 : i32
    %get3A_115 = arith.index_cast %get3A_114 : i32 to index
    %get3A_116 = arith.constant 112 : index
    %get3A_117 = tpu.vector_load %arg7[%get3A_115, %get3A_116] {strides = array<i32>} : memref<4x128xi32, #tpu.memory_space<vmem>>, vector<16xi32>,
    tpu.vector_store_idx %arg8[%get3A_117], %broadcast_in_dim3A_19 : memref<64xf32, #tpu.memory_space<vmem>>[vector<16xi32>], vector<16xf32>,
    %get3A_118 = arith.constant 3 : i32
    %get3A_119 = arith.index_cast %get3A_118 : i32 to index
    %get3A_120 = arith.constant 0 : index
    %get3A_121 = tpu.vector_load %arg7[%get3A_119, %get3A_120] {strides = array<i32>} : memref<4x128xi32, #tpu.memory_space<vmem>>, vector<16xi32>,
    tpu.vector_store_idx %arg8[%get3A_121], %broadcast_in_dim3A_19 : memref<64xf32, #tpu.memory_space<vmem>>[vector<16xi32>], vector<16xf32>,
    %get3A_122 = arith.constant 3 : i32
    %get3A_123 = arith.index_cast %get3A_122 : i32 to index
    %get3A_124 = arith.constant 16 : index
    %get3A_125 = tpu.vector_load %arg7[%get3A_123, %get3A_124] {strides = array<i32>} : memref<4x128xi32, #tpu.memory_space<vmem>>, vector<16xi32>,
    tpu.vector_store_idx %arg8[%get3A_125], %broadcast_in_dim3A_19 : memref<64xf32, #tpu.memory_space<vmem>>[vector<16xi32>], vector<16xf32>,
    %get3A_126 = arith.constant 3 : i32
    %get3A_127 = arith.index_cast %get3A_126 : i32 to index
    %get3A_128 = arith.constant 32 : index
    %get3A_129 = tpu.vector_load %arg7[%get3A_127, %get3A_128] {strides = array<i32>} : memref<4x128xi32, #tpu.memory_space<vmem>>, vector<16xi32>,
    tpu.vector_store_idx %arg8[%get3A_129], %broadcast_in_dim3A_19 : memref<64xf32, #tpu.memory_space<vmem>>[vector<16xi32>], vector<16xf32>,
    %get3A_130 = arith.constant 3 : i32
    %get3A_131 = arith.index_cast %get3A_130 : i32 to index
    %get3A_132 = arith.constant 48 : index
    %get3A_133 = tpu.vector_load %arg7[%get3A_131, %get3A_132] {strides = array<i32>} : memref<4x128xi32, #tpu.memory_space<vmem>>, vector<16xi32>,
    tpu.vector_store_idx %arg8[%get3A_133], %broadcast_in_dim3A_19 : memref<64xf32, #tpu.memory_space<vmem>>[vector<16xi32>], vector<16xf32>,
    %get3A_134 = arith.constant 3 : i32
    %get3A_135 = arith.index_cast %get3A_134 : i32 to index
    %get3A_136 = arith.constant 64 : index
    %get3A_137 = tpu.vector_load %arg7[%get3A_135, %get3A_136] {strides = array<i32>} : memref<4x128xi32, #tpu.memory_space<vmem>>, vector<16xi32>,
    tpu.vector_store_idx %arg8[%get3A_137], %broadcast_in_dim3A_19 : memref<64xf32, #tpu.memory_space<vmem>>[vector<16xi32>], vector<16xf32>,
    %get3A_138 = arith.constant 3 : i32
    %get3A_139 = arith.index_cast %get3A_138 : i32 to index
    %get3A_140 = arith.constant 80 : index
    %get3A_141 = tpu.vector_load %arg7[%get3A_139, %get3A_140] {strides = array<i32>} : memref<4x128xi32, #tpu.memory_space<vmem>>, vector<16xi32>,
    tpu.vector_store_idx %arg8[%get3A_141], %broadcast_in_dim3A_19 : memref<64xf32, #tpu.memory_space<vmem>>[vector<16xi32>], vector<16xf32>,
    %get3A_142 = arith.constant 3 : i32
    %get3A_143 = arith.index_cast %get3A_142 : i32 to index
    %get3A_144 = arith.constant 96 : index
    %get3A_145 = tpu.vector_load %arg7[%get3A_143, %get3A_144] {strides = array<i32>} : memref<4x128xi32, #tpu.memory_space<vmem>>, vector<16xi32>,
    tpu.vector_store_idx %arg8[%get3A_145], %broadcast_in_dim3A_19 : memref<64xf32, #tpu.memory_space<vmem>>[vector<16xi32>], vector<16xf32>,
    %get3A_146 = arith.constant 3 : i32
    %get3A_147 = arith.index_cast %get3A_146 : i32 to index
    %get3A_148 = arith.constant 112 : index
    %get3A_149 = tpu.vector_load %arg7[%get3A_147, %get3A_148] {strides = array<i32>} : memref<4x128xi32, #tpu.memory_space<vmem>>, vector<16xi32>,
    tpu.vector_store_idx %arg8[%get3A_149], %broadcast_in_dim3A_19 : memref<64xf32, #tpu.memory_space<vmem>>[vector<16xi32>], vector<16xf32>,
    %dma_wait3A_150 = arith.constant 0 : i32
    %dma_wait3A_151 = tpu.memref_slice %arg2[%mul3A_2, %dma_wait3A_150] : memref<128x128xf32, #tpu.memory_space<hbm>> -> memref<4x128xf32, #tpu.memory_space<hbm>>
    %dma_wait3A_152 = arith.constant 0 : i32
    %dma_wait3A_153 = tpu.memref_slice %arg2[%mul3A_2, %dma_wait3A_152] : memref<128x128xf32, #tpu.memory_space<hbm>> -> memref<4x128xf32, #tpu.memory_space<hbm>>
    tpu.wait_dma2 semaphore(%arg10 : memref<!tpu.dma_semaphore, #tpu.memory_space<semaphore_mem>>) src(%dma_wait3A_153 : memref<4x128xf32, #tpu.memory_space<hbm>>) dst(%arg6 : memref<4x128xf32, #tpu.memory_space<vmem>>)
    %get3A_154 = arith.constant 0 : i32
    %get3A_155 = arith.index_cast %get3A_154 : i32 to index
    %get3A_156 = arith.constant 0 : index
    %get3A_157 = tpu.vector_load %arg6[%get3A_155, %get3A_156] {strides = array<i32>} : memref<4x128xf32, #tpu.memory_space<vmem>>, vector<16xf32>,
    %add3A_158 = arith.addf %broadcast_in_dim3A_10, %get3A_157 : vector<16xf32>
    %get3A_159 = arith.constant 0 : i32
    %get3A_160 = arith.index_cast %get3A_159 : i32 to index
    %get3A_161 = arith.constant 16 : index
    %get3A_162 = tpu.vector_load %arg6[%get3A_160, %get3A_161] {strides = array<i32>} : memref<4x128xf32, #tpu.memory_space<vmem>>, vector<16xf32>,
    %add3A_163 = arith.addf %add3A_158, %get3A_162 : vector<16xf32>
    %get3A_164 = arith.constant 0 : i32
    %get3A_165 = arith.index_cast %get3A_164 : i32 to index
    %get3A_166 = arith.constant 32 : index
    %get3A_167 = tpu.vector_load %arg6[%get3A_165, %get3A_166] {strides = array<i32>} : memref<4x128xf32, #tpu.memory_space<vmem>>, vector<16xf32>,
    %add3A_168 = arith.addf %add3A_163, %get3A_167 : vector<16xf32>
    %get3A_169 = arith.constant 0 : i32
    %get3A_170 = arith.index_cast %get3A_169 : i32 to index
    %get3A_171 = arith.constant 48 : index
    %get3A_172 = tpu.vector_load %arg6[%get3A_170, %get3A_171] {strides = array<i32>} : memref<4x128xf32, #tpu.memory_space<vmem>>, vector<16xf32>,
    %add3A_173 = arith.addf %add3A_168, %get3A_172 : vector<16xf32>
    %get3A_174 = arith.constant 0 : i32
    %get3A_175 = arith.index_cast %get3A_174 : i32 to index
    %get3A_176 = arith.constant 64 : index
    %get3A_177 = tpu.vector_load %arg6[%get3A_175, %get3A_176] {strides = array<i32>} : memref<4x128xf32, #tpu.memory_space<vmem>>, vector<16xf32>,
    %add3A_178 = arith.addf %add3A_173, %get3A_177 : vector<16xf32>
    %get3A_179 = arith.constant 0 : i32
    %get3A_180 = arith.index_cast %get3A_179 : i32 to index
    %get3A_181 = arith.constant 80 : index
    %get3A_182 = tpu.vector_load %arg6[%get3A_180, %get3A_181] {strides = array<i32>} : memref<4x128xf32, #tpu.memory_space<vmem>>, vector<16xf32>,
    %add3A_183 = arith.addf %add3A_178, %get3A_182 : vector<16xf32>
    %get3A_184 = arith.constant 0 : i32
    %get3A_185 = arith.index_cast %get3A_184 : i32 to index
    %get3A_186 = arith.constant 96 : index
    %get3A_187 = tpu.vector_load %arg6[%get3A_185, %get3A_186] {strides = array<i32>} : memref<4x128xf32, #tpu.memory_space<vmem>>, vector<16xf32>,
    %add3A_188 = arith.addf %add3A_183, %get3A_187 : vector<16xf32>
    %get3A_189 = arith.constant 0 : i32
    %get3A_190 = arith.index_cast %get3A_189 : i32 to index
    %get3A_191 = arith.constant 112 : index
    %get3A_192 = tpu.vector_load %arg6[%get3A_190, %get3A_191] {strides = array<i32>} : memref<4x128xf32, #tpu.memory_space<vmem>>, vector<16xf32>,
    %add3A_193 = arith.addf %add3A_188, %get3A_192 : vector<16xf32>
    %get3A_194 = arith.constant 1 : i32
    %get3A_195 = arith.index_cast %get3A_194 : i32 to index
    %get3A_196 = arith.constant 0 : index
    %get3A_197 = tpu.vector_load %arg6[%get3A_195, %get3A_196] {strides = array<i32>} : memref<4x128xf32, #tpu.memory_space<vmem>>, vector<16xf32>,
    %add3A_198 = arith.addf %add3A_193, %get3A_197 : vector<16xf32>
    %get3A_199 = arith.constant 1 : i32
    %get3A_200 = arith.index_cast %get3A_199 : i32 to index
    %get3A_201 = arith.constant 16 : index
    %get3A_202 = tpu.vector_load %arg6[%get3A_200, %get3A_201] {strides = array<i32>} : memref<4x128xf32, #tpu.memory_space<vmem>>, vector<16xf32>,
    %add3A_203 = arith.addf %add3A_198, %get3A_202 : vector<16xf32>
    %get3A_204 = arith.constant 1 : i32
    %get3A_205 = arith.index_cast %get3A_204 : i32 to index
    %get3A_206 = arith.constant 32 : index
    %get3A_207 = tpu.vector_load %arg6[%get3A_205, %get3A_206] {strides = array<i32>} : memref<4x128xf32, #tpu.memory_space<vmem>>, vector<16xf32>,
    %add3A_208 = arith.addf %add3A_203, %get3A_207 : vector<16xf32>
    %get3A_209 = arith.constant 1 : i32
    %get3A_210 = arith.index_cast %get3A_209 : i32 to index
    %get3A_211 = arith.constant 48 : index
    %get3A_212 = tpu.vector_load %arg6[%get3A_210, %get3A_211] {strides = array<i32>} : memref<4x128xf32, #tpu.memory_space<vmem>>, vector<16xf32>,
    %add3A_213 = arith.addf %add3A_208, %get3A_212 : vector<16xf32>
    %get3A_214 = arith.constant 1 : i32
    %get3A_215 = arith.index_cast %get3A_214 : i32 to index
    %get3A_216 = arith.constant 64 : index
    %get3A_217 = tpu.vector_load %arg6[%get3A_215, %get3A_216] {strides = array<i32>} : memref<4x128xf32, #tpu.memory_space<vmem>>, vector<16xf32>,
    %add3A_218 = arith.addf %add3A_213, %get3A_217 : vector<16xf32>
    %get3A_219 = arith.constant 1 : i32
    %get3A_220 = arith.index_cast %get3A_219 : i32 to index
    %get3A_221 = arith.constant 80 : index
    %get3A_222 = tpu.vector_load %arg6[%get3A_220, %get3A_221] {strides = array<i32>} : memref<4x128xf32, #tpu.memory_space<vmem>>, vector<16xf32>,
    %add3A_223 = arith.addf %add3A_218, %get3A_222 : vector<16xf32>
    %get3A_224 = arith.constant 1 : i32
    %get3A_225 = arith.index_cast %get3A_224 : i32 to index
    %get3A_226 = arith.constant 96 : index
    %get3A_227 = tpu.vector_load %arg6[%get3A_225, %get3A_226] {strides = array<i32>} : memref<4x128xf32, #tpu.memory_space<vmem>>, vector<16xf32>,
    %add3A_228 = arith.addf %add3A_223, %get3A_227 : vector<16xf32>
    %get3A_229 = arith.constant 1 : i32
    %get3A_230 = arith.index_cast %get3A_229 : i32 to index
    %get3A_231 = arith.constant 112 : index
    %get3A_232 = tpu.vector_load %arg6[%get3A_230, %get3A_231] {strides = array<i32>} : memref<4x128xf32, #tpu.memory_space<vmem>>, vector<16xf32>,
    %add3A_233 = arith.addf %add3A_228, %get3A_232 : vector<16xf32>
    %get3A_234 = arith.constant 2 : i32
    %get3A_235 = arith.index_cast %get3A_234 : i32 to index
    %get3A_236 = arith.constant 0 : index
    %get3A_237 = tpu.vector_load %arg6[%get3A_235, %get3A_236] {strides = array<i32>} : memref<4x128xf32, #tpu.memory_space<vmem>>, vector<16xf32>,
    %add3A_238 = arith.addf %add3A_233, %get3A_237 : vector<16xf32>
    %get3A_239 = arith.constant 2 : i32
    %get3A_240 = arith.index_cast %get3A_239 : i32 to index
    %get3A_241 = arith.constant 16 : index
    %get3A_242 = tpu.vector_load %arg6[%get3A_240, %get3A_241] {strides = array<i32>} : memref<4x128xf32, #tpu.memory_space<vmem>>, vector<16xf32>,
    %add3A_243 = arith.addf %add3A_238, %get3A_242 : vector<16xf32>
    %get3A_244 = arith.constant 2 : i32
    %get3A_245 = arith.index_cast %get3A_244 : i32 to index
    %get3A_246 = arith.constant 32 : index
    %get3A_247 = tpu.vector_load %arg6[%get3A_245, %get3A_246] {strides = array<i32>} : memref<4x128xf32, #tpu.memory_space<vmem>>, vector<16xf32>,
    %add3A_248 = arith.addf %add3A_243, %get3A_247 : vector<16xf32>
    %get3A_249 = arith.constant 2 : i32
    %get3A_250 = arith.index_cast %get3A_249 : i32 to index
    %get3A_251 = arith.constant 48 : index
    %get3A_252 = tpu.vector_load %arg6[%get3A_250, %get3A_251] {strides = array<i32>} : memref<4x128xf32, #tpu.memory_space<vmem>>, vector<16xf32>,
    %add3A_253 = arith.addf %add3A_248, %get3A_252 : vector<16xf32>
    %get3A_254 = arith.constant 2 : i32
    %get3A_255 = arith.index_cast %get3A_254 : i32 to index
    %get3A_256 = arith.constant 64 : index
    %get3A_257 = tpu.vector_load %arg6[%get3A_255, %get3A_256] {strides = array<i32>} : memref<4x128xf32, #tpu.memory_space<vmem>>, vector<16xf32>,
    %add3A_258 = arith.addf %add3A_253, %get3A_257 : vector<16xf32>
    %get3A_259 = arith.constant 2 : i32
    %get3A_260 = arith.index_cast %get3A_259 : i32 to index
    %get3A_261 = arith.constant 80 : index
    %get3A_262 = tpu.vector_load %arg6[%get3A_260, %get3A_261] {strides = array<i32>} : memref<4x128xf32, #tpu.memory_space<vmem>>, vector<16xf32>,
    %add3A_263 = arith.addf %add3A_258, %get3A_262 : vector<16xf32>
    %get3A_264 = arith.constant 2 : i32
    %get3A_265 = arith.index_cast %get3A_264 : i32 to index
    %get3A_266 = arith.constant 96 : index
    %get3A_267 = tpu.vector_load %arg6[%get3A_265, %get3A_266] {strides = array<i32>} : memref<4x128xf32, #tpu.memory_space<vmem>>, vector<16xf32>,
    %add3A_268 = arith.addf %add3A_263, %get3A_267 : vector<16xf32>
    %get3A_269 = arith.constant 2 : i32
    %get3A_270 = arith.index_cast %get3A_269 : i32 to index
    %get3A_271 = arith.constant 112 : index
    %get3A_272 = tpu.vector_load %arg6[%get3A_270, %get3A_271] {strides = array<i32>} : memref<4x128xf32, #tpu.memory_space<vmem>>, vector<16xf32>,
    %add3A_273 = arith.addf %add3A_268, %get3A_272 : vector<16xf32>
    %get3A_274 = arith.constant 3 : i32
    %get3A_275 = arith.index_cast %get3A_274 : i32 to index
    %get3A_276 = arith.constant 0 : index
    %get3A_277 = tpu.vector_load %arg6[%get3A_275, %get3A_276] {strides = array<i32>} : memref<4x128xf32, #tpu.memory_space<vmem>>, vector<16xf32>,
    %add3A_278 = arith.addf %add3A_273, %get3A_277 : vector<16xf32>
    %get3A_279 = arith.constant 3 : i32
    %get3A_280 = arith.index_cast %get3A_279 : i32 to index
    %get3A_281 = arith.constant 16 : index
    %get3A_282 = tpu.vector_load %arg6[%get3A_280, %get3A_281] {strides = array<i32>} : memref<4x128xf32, #tpu.memory_space<vmem>>, vector<16xf32>,
    %add3A_283 = arith.addf %add3A_278, %get3A_282 : vector<16xf32>
    %get3A_284 = arith.constant 3 : i32
    %get3A_285 = arith.index_cast %get3A_284 : i32 to index
    %get3A_286 = arith.constant 32 : index
    %get3A_287 = tpu.vector_load %arg6[%get3A_285, %get3A_286] {strides = array<i32>} : memref<4x128xf32, #tpu.memory_space<vmem>>, vector<16xf32>,
    %add3A_288 = arith.addf %add3A_283, %get3A_287 : vector<16xf32>
    %get3A_289 = arith.constant 3 : i32
    %get3A_290 = arith.index_cast %get3A_289 : i32 to index
    %get3A_291 = arith.constant 48 : index
    %get3A_292 = tpu.vector_load %arg6[%get3A_290, %get3A_291] {strides = array<i32>} : memref<4x128xf32, #tpu.memory_space<vmem>>, vector<16xf32>,
    %add3A_293 = arith.addf %add3A_288, %get3A_292 : vector<16xf32>
    %get3A_294 = arith.constant 3 : i32
    %get3A_295 = arith.index_cast %get3A_294 : i32 to index
    %get3A_296 = arith.constant 64 : index
    %get3A_297 = tpu.vector_load %arg6[%get3A_295, %get3A_296] {strides = array<i32>} : memref<4x128xf32, #tpu.memory_space<vmem>>, vector<16xf32>,
    %add3A_298 = arith.addf %add3A_293, %get3A_297 : vector<16xf32>
    %get3A_299 = arith.constant 3 : i32
    %get3A_300 = arith.index_cast %get3A_299 : i32 to index
    %get3A_301 = arith.constant 80 : index
    %get3A_302 = tpu.vector_load %arg6[%get3A_300, %get3A_301] {strides = array<i32>} : memref<4x128xf32, #tpu.memory_space<vmem>>, vector<16xf32>,
    %add3A_303 = arith.addf %add3A_298, %get3A_302 : vector<16xf32>
    %get3A_304 = arith.constant 3 : i32
    %get3A_305 = arith.index_cast %get3A_304 : i32 to index
    %get3A_306 = arith.constant 96 : index
    %get3A_307 = tpu.vector_load %arg6[%get3A_305, %get3A_306] {strides = array<i32>} : memref<4x128xf32, #tpu.memory_space<vmem>>, vector<16xf32>,
    %add3A_308 = arith.addf %add3A_303, %get3A_307 : vector<16xf32>
    %get3A_309 = arith.constant 3 : i32
    %get3A_310 = arith.index_cast %get3A_309 : i32 to index
    %get3A_311 = arith.constant 112 : index
    %get3A_312 = tpu.vector_load %arg6[%get3A_310, %get3A_311] {strides = array<i32>} : memref<4x128xf32, #tpu.memory_space<vmem>>, vector<16xf32>,
    %add3A_313 = arith.addf %add3A_308, %get3A_312 : vector<16xf32>
    %swap3A_314 = arith.constant 0 : index
    %swap3A_315 = tpu.vector_load %arg9[%swap3A_314] {strides = array<i32>} : memref<16xf32, #tpu.memory_space<vmem>>, vector<16xf32>,
    tpu.vector_store %arg9[%swap3A_314], %add3A_313 {strides = array<i32>} : memref<16xf32, #tpu.memory_space<vmem>>, vector<16xf32>,
    "tpu.region"() ({
      %run_scoped3A = tpu.sem_alloc : memref<!tpu.dma_semaphore, #tpu.memory_space<semaphore_mem>>
      %dma_start3A_316 = arith.constant 0 : i32
      %dma_start3A_317 = tpu.memref_slice %arg4[%add3A, %dma_start3A_316] : memref<32x64xf32, #tpu.memory_space<hbm>> -> memref<1x64xf32, #tpu.memory_space<hbm>>
      %dma_start3A_318 = tpu.memref_squeeze %dma_start3A_317 : memref<1x64xf32, #tpu.memory_space<hbm>> -> memref<64xf32, #tpu.memory_space<hbm>>
      %dma_start3A_319 = arith.constant 0 : i32
      %dma_start3A_320 = tpu.memref_slice %arg4[%add3A, %dma_start3A_319] : memref<32x64xf32, #tpu.memory_space<hbm>> -> memref<1x64xf32, #tpu.memory_space<hbm>>
      %dma_start3A_321 = tpu.memref_squeeze %dma_start3A_320 : memref<1x64xf32, #tpu.memory_space<hbm>> -> memref<64xf32, #tpu.memory_space<hbm>>
      tpu.enqueue_dma source(%arg8 : memref<64xf32, #tpu.memory_space<vmem>>) target(%dma_start3A_321 : memref<64xf32, #tpu.memory_space<hbm>>) target_semaphore(%run_scoped3A : memref<!tpu.dma_semaphore, #tpu.memory_space<semaphore_mem>>)
      %dma_wait3A_322 = arith.constant 0 : i32
      %dma_wait3A_323 = tpu.memref_slice %arg4[%add3A, %dma_wait3A_322] : memref<32x64xf32, #tpu.memory_space<hbm>> -> memref<1x64xf32, #tpu.memory_space<hbm>>
      %dma_wait3A_324 = tpu.memref_squeeze %dma_wait3A_323 : memref<1x64xf32, #tpu.memory_space<hbm>> -> memref<64xf32, #tpu.memory_space<hbm>>
      %dma_wait3A_325 = arith.constant 0 : i32
      %dma_wait3A_326 = tpu.memref_slice %arg4[%add3A, %dma_wait3A_325] : memref<32x64xf32, #tpu.memory_space<hbm>> -> memref<1x64xf32, #tpu.memory_space<hbm>>
      %dma_wait3A_327 = tpu.memref_squeeze %dma_wait3A_326 : memref<1x64xf32, #tpu.memory_space<hbm>> -> memref<64xf32, #tpu.memory_space<hbm>>
      tpu.wait_dma2 semaphore(%run_scoped3A : memref<!tpu.dma_semaphore, #tpu.memory_space<semaphore_mem>>) src(%arg8 : memref<64xf32, #tpu.memory_space<vmem>>) dst(%dma_wait3A_327 : memref<64xf32, #tpu.memory_space<hbm>>)
      tpu.yield
    }) : () -> ()
    "tpu.region"() ({
      %run_scoped3A = tpu.sem_alloc : memref<!tpu.dma_semaphore, #tpu.memory_space<semaphore_mem>>
      %dma_start3A_316 = arith.constant 0 : i32
      %dma_start3A_317 = tpu.memref_slice %arg5[%add3A, %dma_start3A_316] : memref<32x16xf32, #tpu.memory_space<hbm>> -> memref<1x16xf32, #tpu.memory_space<hbm>>
      %dma_start3A_318 = tpu.memref_squeeze %dma_start3A_317 : memref<1x16xf32, #tpu.memory_space<hbm>> -> memref<16xf32, #tpu.memory_space<hbm>>
      %dma_start3A_319 = arith.constant 0 : i32
      %dma_start3A_320 = tpu.memref_slice %arg5[%add3A, %dma_start3A_319] : memref<32x16xf32, #tpu.memory_space<hbm>> -> memref<1x16xf32, #tpu.memory_space<hbm>>
      %dma_start3A_321 = tpu.memref_squeeze %dma_start3A_320 : memref<1x16xf32, #tpu.memory_space<hbm>> -> memref<16xf32, #tpu.memory_space<hbm>>
      tpu.enqueue_dma source(%arg9 : memref<16xf32, #tpu.memory_space<vmem>>) target(%dma_start3A_321 : memref<16xf32, #tpu.memory_space<hbm>>) target_semaphore(%run_scoped3A : memref<!tpu.dma_semaphore, #tpu.memory_space<semaphore_mem>>)
      %dma_wait3A_322 = arith.constant 0 : i32
      %dma_wait3A_323 = tpu.memref_slice %arg5[%add3A, %dma_wait3A_322] : memref<32x16xf32, #tpu.memory_space<hbm>> -> memref<1x16xf32, #tpu.memory_space<hbm>>
      %dma_wait3A_324 = tpu.memref_squeeze %dma_wait3A_323 : memref<1x16xf32, #tpu.memory_space<hbm>> -> memref<16xf32, #tpu.memory_space<hbm>>
      %dma_wait3A_325 = arith.constant 0 : i32
      %dma_wait3A_326 = tpu.memref_slice %arg5[%add3A, %dma_wait3A_325] : memref<32x16xf32, #tpu.memory_space<hbm>> -> memref<1x16xf32, #tpu.memory_space<hbm>>
      %dma_wait3A_327 = tpu.memref_squeeze %dma_wait3A_326 : memref<1x16xf32, #tpu.memory_space<hbm>> -> memref<16xf32, #tpu.memory_space<hbm>>
      tpu.wait_dma2 semaphore(%run_scoped3A : memref<!tpu.dma_semaphore, #tpu.memory_space<semaphore_mem>>) src(%arg9 : memref<16xf32, #tpu.memory_space<vmem>>) dst(%dma_wait3A_327 : memref<16xf32, #tpu.memory_space<hbm>>)
      tpu.yield
    }) : () -> ()
    return
  }
}

module attributes {stable_mosaic.version = 14 : i64} {
  func.func @_prep_body(%arg0: i32, %arg1: memref<8192x64xf32, #tpu.memory_space<vmem>>, %arg2: memref<64x128xf32, #tpu.memory_space<vmem>>, %arg3: memref<64x128xi32, #tpu.memory_space<vmem>>) attributes {dimension_semantics = [#tpu.dimension_semantics<arbitrary>], iteration_bounds = array<i64: 2>, scalar_prefetch = 0 : i64, scratch_operands = 0 : i64, tpu.core_type = #tpu.core_type<tc>, window_params = [{transform_indices = @transform_0, window_bounds = array<i64: 8192, 64>}, {transform_indices = @transform_1, window_bounds = array<i64: 64, 128>}, {transform_indices = @transform_2, window_bounds = array<i64: 64, 128>}]} {
    %get3A = arith.constant 0 : index
    %get3A_0 = arith.constant 0 : index
    %get3A_1 = vector.load %arg1[%get3A, %get3A_0] : memref<8192x64xf32, #tpu.memory_space<vmem>>, vector<8192x64xf32>
    %reduce_max3A = arith.constant dense<0xFF800000> : vector<8192xf32>
    %reduce_max3A_2 = vector.multi_reduction <maximumf>, %get3A_1, %reduce_max3A [1] : vector<8192x64xf32> to vector<8192xf32>
    %broadcast_in_dim3A = vector.shape_cast %reduce_max3A_2 : vector<8192xf32> to vector<8192x1xf32>
    %iota3A = tpu.iota {dimensions = array<i32: 1>} : vector<8192x64xi32>
    %eq3A = vector.broadcast %broadcast_in_dim3A : vector<8192x1xf32> to vector<8192x64xf32>
    %eq3A_3 = arith.cmpf oeq, %get3A_1, %eq3A : vector<8192x64xf32>
    %jit3A = arith.constant 64 : i32
    %broadcast_in_dim3A_4 = vector.broadcast %jit3A : i32 to vector<8192x64xi32>
    %select_n3A = arith.select %eq3A_3, %iota3A, %broadcast_in_dim3A_4 : vector<8192x64xi1>, vector<8192x64xi32>
    %reduce_min3A = arith.constant dense<2147483647> : vector<8192xi32>
    %reduce_min3A_5 = vector.multi_reduction <minsi>, %select_n3A, %reduce_min3A [1] : vector<8192x64xi32> to vector<8192xi32>
    %reshape3A = vector.shape_cast %broadcast_in_dim3A : vector<8192x1xf32> to vector<64x128xf32>
    %swap3A = arith.constant 0 : index
    %swap3A_6 = arith.constant 0 : index
    %swap3A_7 = vector.load %arg2[%swap3A, %swap3A_6] : memref<64x128xf32, #tpu.memory_space<vmem>>, vector<64x128xf32>
    tpu.vector_store %arg2[%swap3A, %swap3A_6], %reshape3A {strides = array<i32>} : memref<64x128xf32, #tpu.memory_space<vmem>>, vector<64x128xf32>,
    %reshape3A_8 = vector.shape_cast %reduce_min3A_5 : vector<8192xi32> to vector<64x128xi32>
    %swap3A_9 = arith.constant 0 : index
    %swap3A_10 = arith.constant 0 : index
    %swap3A_11 = vector.load %arg3[%swap3A_9, %swap3A_10] : memref<64x128xi32, #tpu.memory_space<vmem>>, vector<64x128xi32>
    tpu.vector_store %arg3[%swap3A_9, %swap3A_10], %reshape3A_8 {strides = array<i32>} : memref<64x128xi32, #tpu.memory_space<vmem>>, vector<64x128xi32>,
    return
  }
  func.func @transform_0(%arg0: i32) -> (i32, i32) {
    %c0_i32 = arith.constant 0 : i32
    %c0_i32_0 = arith.constant 0 : i32
    return %arg0, %c0_i32 : i32, i32
  }
  func.func @transform_1(%arg0: i32) -> (i32, i32) {
    %c0_i32 = arith.constant 0 : i32
    %c0_i32_0 = arith.constant 0 : i32
    return %arg0, %c0_i32 : i32, i32
  }
  func.func @transform_2(%arg0: i32) -> (i32, i32) {
    %c0_i32 = arith.constant 0 : i32
    %c0_i32_0 = arith.constant 0 : i32
    return %arg0, %c0_i32 : i32, i32
  }
}

module attributes {stable_mosaic.version = 14 : i64} {
  func.func @_merge_body(%arg0: memref<32x64xf32, #tpu.memory_space<vmem>>, %arg1: memref<32x16xf32, #tpu.memory_space<vmem>>, %arg2: memref<1x1xf32, #tpu.memory_space<vmem>>, %arg3: memref<1x1xf32, #tpu.memory_space<vmem>>) attributes {dimension_semantics = [], scalar_prefetch = 0 : i64, scratch_operands = 0 : i64, tpu.core_type = #tpu.core_type<tc>} {
    %get3A = arith.constant 0 : index
    %get3A_0 = arith.constant 0 : index
    %get3A_1 = vector.load %arg0[%get3A, %get3A_0] : memref<32x64xf32, #tpu.memory_space<vmem>>, vector<32x64xf32>
    %reduce_max3A = arith.constant dense<0xFF800000> : vector<64xf32>
    %reduce_max3A_2 = vector.multi_reduction <maximumf>, %get3A_1, %reduce_max3A [0] : vector<32x64xf32> to vector<64xf32>
    %broadcast_in_dim3A = vector.shape_cast %reduce_max3A_2 : vector<64xf32> to vector<1x64xf32>
    %gt3A = arith.constant 0.000000e+00 : f32
    %gt3A_3 = vector.broadcast %gt3A : f32 to vector<1x64xf32>
    %gt3A_4 = arith.cmpf ogt, %broadcast_in_dim3A, %gt3A_3 : vector<1x64xf32>
    %jit3A = arith.constant 1.000000e+00 : f32
    %jit3A_5 = arith.constant 0.000000e+00 : f32
    %broadcast_in_dim3A_6 = vector.broadcast %jit3A : f32 to vector<1x64xf32>
    %broadcast_in_dim3A_7 = vector.broadcast %jit3A_5 : f32 to vector<1x64xf32>
    %select_n3A = arith.select %gt3A_4, %broadcast_in_dim3A_6, %broadcast_in_dim3A_7 : vector<1x64xi1>, vector<1x64xf32>
    %reduce_sum3A = vector.shape_cast %select_n3A : vector<1x64xf32> to vector<1x1x64xf32>
    %reduce_sum3A_8 = arith.constant dense<0.000000e+00> : vector<1xf32>
    %reduce_sum3A_9 = vector.multi_reduction <add>, %reduce_sum3A, %reduce_sum3A_8 [1, 2] : vector<1x1x64xf32> to vector<1xf32>
    %reduce_sum3A_10 = vector.shape_cast %reduce_sum3A_9 : vector<1xf32> to vector<1x1x1xf32>
    %reduce_sum3A_11 = vector.extract %reduce_sum3A_10[0, 0, 0] : f32 from vector<1x1x1xf32>
    %reshape3A = vector.broadcast %reduce_sum3A_11 : f32 to vector<1x1xf32>
    %swap3A = arith.constant 0 : index
    %swap3A_12 = arith.constant 0 : index
    %swap3A_13 = vector.load %arg2[%swap3A, %swap3A_12] : memref<1x1xf32, #tpu.memory_space<vmem>>, vector<1x1xf32>
    tpu.vector_store %arg2[%swap3A, %swap3A_12], %reshape3A {strides = array<i32>} : memref<1x1xf32, #tpu.memory_space<vmem>>, vector<1x1xf32>,
    %get3A_14 = arith.constant 0 : index
    %get3A_15 = arith.constant 0 : index
    %get3A_16 = vector.load %arg1[%get3A_14, %get3A_15] : memref<32x16xf32, #tpu.memory_space<vmem>>, vector<32x16xf32>
    %reduce_sum3A_17 = vector.shape_cast %get3A_16 : vector<32x16xf32> to vector<1x32x16xf32>
    %reduce_sum3A_18 = arith.constant dense<0.000000e+00> : vector<1xf32>
    %reduce_sum3A_19 = vector.multi_reduction <add>, %reduce_sum3A_17, %reduce_sum3A_18 [1, 2] : vector<1x32x16xf32> to vector<1xf32>
    %reduce_sum3A_20 = vector.shape_cast %reduce_sum3A_19 : vector<1xf32> to vector<1x1x1xf32>
    %reduce_sum3A_21 = vector.extract %reduce_sum3A_20[0, 0, 0] : f32 from vector<1x1x1xf32>
    %mul3A = arith.constant 6.10351563E-5 : f32
    %mul3A_22 = arith.mulf %reduce_sum3A_21, %mul3A : f32
    %reshape3A_23 = vector.broadcast %mul3A_22 : f32 to vector<1x1xf32>
    %swap3A_24 = arith.constant 0 : index
    %swap3A_25 = arith.constant 0 : index
    %swap3A_26 = vector.load %arg3[%swap3A_24, %swap3A_25] : memref<1x1xf32, #tpu.memory_space<vmem>>, vector<1x1xf32>
    tpu.vector_store %arg3[%swap3A_24, %swap3A_25], %reshape3A_23 {strides = array<i32>} : memref<1x1xf32, #tpu.memory_space<vmem>>, vector<1x1xf32>,
    return
  }
}

</mosaic_0001>

<sc_bundles>
// kernel: kernel.5.cloned.1.call-start
scs
__scs_entry_jumppad:
0x0: {  	(pc) =	sbr.rel $0x88, $3  }
0x1: {  	(tag) =	ssettag $0x0;
	lr =	simm.s32 $0x1  }
0x2: {  	[smem:$0x3F9F] =	sst lr;
	_ =	strace $0xD0000000  }
0x3: {  	_ = 	snop  }
0x4: {  	_ = 	snop  }
0x5: {  	_ = 	snop  }
0x6: {  	_ = 	snop  }
0x7: {  	_ = 	snop  }
__scs_overlays_trampoline_lowered:
0x8: {  	[smem:$0x3FAE] =	sst s0  }
0x9: {  	[smem:$0x3FAF] =	sst s1  }
0xa: {  	[smem:$0x3FB0] =	sst s2  }
0xb: {  	[smem:$0x3FB1] =	sst s3  }
0xc: {  	[smem:$0x3FB2] =	sst s4  }
0xd: {  	[smem:$0x3FB3] =	sst s5  }
0xe: {  	[smem:$0x3FB4] =	sst s6  }
0xf: {  	[smem:$0x3FB5] =	sst s7  }
0x10: {  	[smem:$0x3FB6] =	sst s8  }
0x11: {  	[smem:$0x3FB7] =	sst s9;
	s0 =	simm.s32 @!p0 $0x0  }
0x12: {  	s1 =	sld [smem:$0x3F9D];
	s0 =	simm.s32 @p0 $0x1  }
0x13: {  	[smem:$0x3FB8] =	sst s0;
	s0 =	simm.s32 @!p1 $0x0  }
0x14: {  	s2 =	sld [smem:$0x3F9C];
	s0 =	simm.s32 @p1 $0x1  }
0x15: {  	[smem:$0x3FB9] =	sst s0;
	s0 =	simm.s32 @!p2 $0x0  }
0x16: {  	s3 =	sld [smem:$0x3FDB];
	s0 =	simm.s32 @p2 $0x1  }
0x17: {  	s4 =	simm.s32 $0x1BF5;
	[smem:$0x3FBB] =	sst s0  }
0x18: {  	s0 =	sld [smem:$0x3F9E];
	_ =	swait.ge [sflag:s4], $0x0  }
0x19: {  	s7 =	sld [smem:$0x3F9F]  }
0x1a: {  	s8 =	sadd.s32 $0xFFFFE003, lr  }
0x1b: {  	s9 =	sadd.s32 $0xFFFFFEF7, lr;
	s5 =	simm.s32 $0xFFFFFFFF;
	p2 =	slt.u32 s8, $0xFFFFF086  }
0x1c: {  	p1 =	slt.u32 s9, $0xF7A;
	s5 =	simm.s32 @!p2 $0x0  }
0x1d: {  	s5 =	simm.s32 @p1 $0x1;
	p0 =	seq.s32 s7, s2  }
0x1e: {  	s7 =	smul.u32 @!p0 $0xF7A, s2;
	p2 =	seq.s32 @!p0 s5, $0x0  }
0x1f: {  	s9 =	smul.u32 $0xF7A, s1;
	s8 =	simm.s32 @!p0 $0x1BF5;
	p2 =	por !p2, p0  }
0x20: {  	[sflag:s8] =	ssyncset.s32 @!p0 $0xFFFFF086;
	s6 =	sadd.s32 @!p0 s3, s7;
	s7 =	simm.s32 @!p0 $0x108  }
0x21: {  	s3 =	sadd.s32 s3, s9;
	s6 =	sadd.s32 @!p0 $0x88, s6;
	s7 =	simm.s32 @p2 $0x1082  }
0x22: {  	[simem:s7], [sflag:s8] =	dma.local @!p0 [hbm:s6], $0xF7A  }
0x23: {  	s9 =	sor.u32 $0xD0000000, s2;
	s6 =	simm.s32 $0x108;
	_ =	swait.ge @!p0 [sflag:s8], $0x0  }
0x24: {  	s3 =	sadd.s32 $0x88, s3;
	s6 =	simm.s32 @!p1 $0x1082;
	[sflag:s4] =	ssyncset.s32 $0xFFFFF086  }
0x25: {  	[simem:s6], [sflag:s4] =	dma.local [hbm:s3], $0xF7A  }
0x26: {  	[smem:$0x3F9F] =	sst s1;
	(tag) =	ssettag s2;
	_ =	strace s9  }
0x27: {  	s1 =	sld [smem:$0x3FAF]  }
0x28: {  	s2 =	sld [smem:$0x3FB0]  }
0x29: {  	s4 =	sld [smem:$0x3FB2]  }
0x2a: {  	p0 =	seq.s32 s5, $0x0;
	s5 =	sld [smem:$0x3FB3]  }
0x2b: {  	s6 =	sld [smem:$0x3FB4]  }
0x2c: {  	s7 =	sld [smem:$0x3FB5]  }
0x2d: {  	s3 =	simm.s32 $0x108;
	s8 =	sld [smem:$0x3FB6]  }
0x2e: {  	s3 =	simm.s32 @!p0 $0x1082;
	s9 =	sld [smem:$0x3FB7]  }
0x2f: {  	lr =	sadd.s32 s0, s3;
	s0 =	sld [smem:$0x3FAE]  }
0x30: {  	s3 =	sld [smem:$0x3FB1]  }
0x31: {  	[smem:$0x3FBA] =	sst s10  }
0x32: {  	s10 =	sld [smem:$0x3FB8];
	_ =	sdelay $0x3  }
0x33: {  	p0 =	seq.s32 s10, $0x1;
	s10 =	sld [smem:$0x3FBA];
	_ =	sdelay $0x3  }
0x34: {  	[smem:$0x3FBA] =	sst s10  }
0x35: {  	s10 =	sld [smem:$0x3FB9];
	_ =	sdelay $0x3  }
0x36: {  	p1 =	seq.s32 s10, $0x1;
	s10 =	sld [smem:$0x3FBA];
	_ =	sdelay $0x3  }
0x37: {  	[smem:$0x3FBA] =	sst s10  }
0x38: {  	s10 =	sld [smem:$0x3FBB]  }
0x39: {  	_ = 	snop;
	(pc) =	sbr.ind lr, $3  }
0x3a: {  	_ = 	snop  }
0x3b: {  	_ = 	snop  }
0x3c: {  	p2 =	seq.s32 s10, $0x1;
	s10 =	sld [smem:$0x3FBA]  }
0x3d: {  	_ =	shalt  }
0x3e: {  	_ =	shalt  }
0x3f: {  	_ =	shalt  }
0x40: {  	_ =	shalt  }
0x41: {  	_ =	shalt  }
0x42: {  	_ =	shalt  }
0x43: {  	_ =	shalt  }
0x44: {  	_ =	shalt  }
0x45: {  	_ =	shalt  }
0x46: {  	_ =	shalt  }
0x47: {  	_ =	shalt  }
0x48: {  	_ =	shalt  }
0x49: {  	_ =	shalt  }
0x4a: {  	_ =	shalt  }
0x4b: {  	_ =	shalt  }
0x4c: {  	_ =	shalt  }
0x4d: {  	_ =	shalt  }
0x4e: {  	_ =	shalt  }
0x4f: {  	_ =	shalt  }
0x50: {  	_ =	shalt  }
0x51: {  	_ =	shalt  }
0x52: {  	_ =	shalt  }
0x53: {  	_ =	shalt  }
0x54: {  	_ =	shalt  }
0x55: {  	_ =	shalt  }
0x56: {  	_ =	shalt  }
0x57: {  	_ =	shalt  }
0x58: {  	_ =	shalt  }
0x59: {  	_ =	shalt  }
0x5a: {  	_ =	shalt  }
0x5b: {  	_ =	shalt  }
0x5c: {  	_ =	shalt  }
0x5d: {  	_ =	shalt  }
0x5e: {  	_ =	shalt  }
0x5f: {  	_ =	shalt  }
0x60: {  	_ =	shalt  }
0x61: {  	_ =	shalt  }
0x62: {  	_ =	shalt  }
0x63: {  	_ =	shalt  }
0x64: {  	_ =	shalt  }
0x65: {  	_ =	shalt  }
0x66: {  	_ =	shalt  }
0x67: {  	_ =	shalt  }
0x68: {  	_ =	shalt  }
0x69: {  	_ =	shalt  }
0x6a: {  	_ =	shalt  }
0x6b: {  	_ =	shalt  }
0x6c: {  	_ =	shalt  }
0x6d: {  	_ =	shalt  }
0x6e: {  	_ =	shalt  }
0x6f: {  	_ =	shalt  }
0x70: {  	_ =	shalt  }
0x71: {  	_ =	shalt  }
0x72: {  	_ =	shalt  }
0x73: {  	_ =	shalt  }
0x74: {  	_ =	shalt  }
0x75: {  	_ =	shalt  }
0x76: {  	_ =	shalt  }
0x77: {  	_ =	shalt  }
0x78: {  	_ =	shalt  }
0x79: {  	_ =	shalt  }
0x7a: {  	_ =	shalt  }
0x7b: {  	_ =	shalt  }
0x7c: {  	_ =	shalt  }
0x7d: {  	_ =	shalt  }
0x7e: {  	_ =	shalt  }
0x7f: {  	_ =	shalt  }
0x80: {  	_ =	shalt  }
0x81: {  	_ =	shalt  }
0x82: {  	_ =	shalt  }
0x83: {  	_ =	shalt  }
0x84: {  	_ =	shalt  }
0x85: {  	_ =	shalt  }
0x86: {  	_ =	shalt  }
0x87: {  	_ =	shalt  }
.Lfunc_end0:
.L_simem_size_0:
called_computation_lowered:
.L_overlay_start_0:
0x88: {  	s2 =	sld [smem:$0x3FD9]  }
0x89: {  	s3 =	sld [smem:$0x3FFE];
	_ =	sdelay $0x1  }
0x8a: {  	s1 =	srdreg.scid  }
0x8b: {  	s0 =	sand.u32 $0x1, s1  }
0x8c: {  	s14 =	sshll.u32 s0, $0xA;
	s2 =	sadd.s32 s3, s2  }
0x8d: {  	s2 =	sadd.s32 s2, s14  }
0x8e: {  	[smem:$0x3FC6] =	sst s2  }
0x8f: {  	_ = 	snop  }
0x90: {  	s2 =	sld [smem:$0x3FD0];
	_ =	sdelay $0x2  }
0x91: {  	s15 =	simm.s32 $0xA;
	s4 =	simm.s32 $0x10  }
0x92: {  	[smem:s4], [sflag:s15] =	dma.local [hbm:s2], $0x1  }
0x93: {  	_ =	swait.eq [sflag:s15], $0x1  }
0x94: {  	[sflag:s15] =	ssyncset.done $0x0  }
0x95: {  	[sflag:s15] =	ssyncadd.s32 $0xFFFFFFFF  }
0x96: {  	s16 =	sld [smem:$0x10];
	(tm) =	ssettm $0x1  }
0x97: {  	s17 =	sld [smem:$0x3FFB];
	_ =	sdelay $0x3  }
0x98: {  	_ =	strace s17  }
0x99: {  	s3 =	sld [smem:$0x3FFC];
	_ =	sdelay $0x3  }
0x9a: {  	_ =	strace s3  }
0x9b: {  	s3 =	sld [smem:$0x3FFD];
	_ =	sdelay $0x3  }
0x9c: {  	_ =	strace s3  }
0x9d: {  	_ =	strace $0x8FFFFFFF  }
0x9e: {  	s18 =	sld [smem:$0x3FDB];
	_ =	sdelay $0x1  }
0x9f: {  	s19 =	simm.s32 $_scs_section_size  }
0xa0: {  	s5 =	simm.s32 $_size__tile_overlayer_lowered;
	s6 =	simm.s32 $_tile_overlayer_lowered  }
0xa1: {  	s22 =	simm.s32 $0x1BFF;
	s21 =	sshll.u32 s6, $0x1;
	s3 =	sadd.s32 s19, s18  }
0xa2: {  	s7 =	simm.s32 $0x0;
	s20 =	sshll.u32 s5, $0x1;
	s5 =	sadd.s32 s21, s3  }
0xa3: {  	[timem:s7], [sflag:s22] =	dma.local [hbm:s5], s20  }
0xa4: {  	_ =	swait.ge [sflag:s22], s20  }
0xa5: {  	s4 =	ssub.s32 $0x0, s20;
	[sflag:s22] =	ssyncset.done $0x0  }
0xa6: {  	[sflag:s22] =	ssyncadd.s32 s4;
	_ =	sdelay $0x1  }
0xa7: {  	s23 =	simm.s32 $0x1B8B  }
0xa8: {  	_ =	swait.ge [sflag:s23], $0x1  }
0xa9: {  	[sflag:s23] =	ssyncset.done $0x0  }
0xaa: {  	s25 =	simm.s32 $0x1B8E;
	s24 =	sld [smem:$0x3FFE];
	[sflag:s23] =	ssyncadd.s32 $0xFFFFFFFF  }
0xab: {  	s26 =	simm.s32 $execute0_lowered;
	[smem:$0x3FD2] =	sst s25  }
0xac: {  	s5 =	sshll.u32 s26, $0x1;
	_ =	strace $0x80000046;
	[dreg:$0x1] =	wrdreg $0xFFFFFFFF  }
0xad: {  	s28 =	simm.s32 $_size_execute0_lowered;
	s3 =	sadd.s32 s3, s5;
	[dreg:$0x0] =	wrdreg $0x0  }
0xae: {  	s5 =	sshll.u32 s28, $0x1;
	[dreg:$0x2] =	wrdreg s3  }
0xaf: {  	[dreg:$0x3] =	wrdreg s5  }
0xb0: {  	[dreg:$0x4] =	wrdreg $0xC0  }
0xb1: {  	_ =	task [dreg:s7], $0x5FFFF  }
0xb2: {  	[dreg:$0x1] =	wrdreg $0xFFFFFFFF  }
0xb3: {  	[dreg:$0x0] =	wrdreg $0x60  }
0xb4: {  	[dreg:$0x2] =	wrdreg s16  }
0xb5: {  	[dreg:$0x3] =	wrdreg s24  }
0xb6: {  	[dreg:$0x4] =	wrdreg $0x9  }
0xb7: {  	_ =	task.clear_ibuf [dreg:s7], $0x5FFFF;
	_ =	strace $0x90000046  }
0xb8: {  	s29 =	simm.s32 $0x9;
	_ =	strace $0x80000048  }
0xb9: {  	_ =	swait.ge [sflag:s29], $0x1  }
0xba: {  	[sflag:s29] =	ssyncadd.s32 $0xFFFFFFFF  }
0xbb: {  	_ =	strace $0x90000048  }
0xbc: {  	_ =	sfence  }
0xbd: {  	s30 =	sld [smem:$0x0];
	_ =	sdelay $0x2  }
0xbe: {  	s31 =	sshll.u32 s1, $0xD;
	s1 =	sshrl.u32 s1, $0x2  }
0xbf: {  	s3 =	sand.u32 $0x4000, s31;
	s1 =	sadd.s32 s1, s30  }
0xc0: {  	s0 =	sor.u32 s3, s0;
	s1 =	sshll.u32 s1, $0x11  }
0xc1: {  	s0 =	sor.u32 s1, s0  }
0xc2: {  	s0 =	sadd.s32 $0x8F2B, s0  }
0xc3: {  	[sflag:s0] =	ssyncadd.remote.s32 $0x1  }
0xc4: {  	_ =	sfence.sel $0xFFFF  }
0xc5: {  	[dreg:$0x0] =	wrdreg $0xFFFFFFFF;
	(pc) =	sbr.abs _section_cstart, $3  }
0xc6: {  	[dreg:$0x1] =	wrdreg $0xFFFFFFFF  }
0xc7: {  	_ =	task.clear_ibuf [dreg:s7], $0x2FFFF;
	_ =	strace $0x9FFFFFFF  }
0xc8: {  	(tm) =	ssettm $0x7FFFFFFF  }
0xc9: {  	_ =	shalt  }
tec
execute0_lowered:
.L_overlay_start_1:
0x0: {  	(tag) =	ssettag $0x1  }
0x1: {  	s4 =	rddreg [dreg:$0x0]  }
0x2: {  	s3 =	rddreg [dreg:$0x1]  }
0x3: {  	s0 =	rddreg [dreg:$0x2];
	s2 =	simm.s32 $0x0  }
0x4: {  	s5 =	srdreg.scid;
	s1 =	stileid.u32;
	s10 =	simm.s32 $0x400  }
0x5: {  	s11 =	simm.s32 $0x1;
	s12 =	simm.s32 $0x3;
	s13 =	simm.s32 $0x480  }
0x6: {  	[smem:$0x7FF] =	sst s2;
	s5 =	sand.u32 $0x1, s5;
	s6 =	sshll.u32 s1, $0x7  }
0x7: {  	s8 =	sshll.u32 s1, $0x5;
	_ =	strace $0x80000047;
	s7 =	sshll.u32 s5, $0x6  }
0x8: {  	s9 =	sshll.u32 s5, $0x4;
	s5 =	ssub.s32 $0x2, s5;
	s6 =	sor.u32 s7, s6  }
0x9: {  	s28 =	sor.u32 s9, s8;
	s30 =	sshrl.u32 s5, $0x1;
	s8 =	simm.s32 $0x200  }
0xa: {  	s9 =	simm.s32 $0x2;
	s29 =	sadd.s32 s6, s3;
	s7 =	sadd.s32 s28, s3  }
0xb: {  	s31 =	ssub.s32 s5, s30;
	s4 =	sadd.s32 s4, s6;
	s3 =	sadd.s32 $0x1C00, s29  }
0xc: {  	v0 =	vimm.f32 $0.0e+00;
	v1 =	vimm.f32 $1.000000000e+00;
	s5 =	sadd.s32 $0x2400, s7;
	s6 =	sadd.s32 $0x2600, s7;
	s7 =	smax.u32 s31, $0x1  }
.LBB2_1:
0xd: {  	[tilespmem:s8], [sflag:$0x2] =	stream.linear.gather [hbm4b:s3+s2], $0x200, $0x38;
	[tilespmem:$0x500] =	vst v63  }
0xe: {  	_ = 	snop  }
0xf: {  	[tilespmem:s2], [sflag:$0x1] =	stream.linear.gather [hbm4b:s4+s2], $0x200, $0x38;
	[tilespmem:$0x500] =	vst v63  }
0x10: {  	[tilespmem:$0x400] =	vst v0  }
0x11: {  	[tilespmem:$0x410] =	vst v0  }
0x12: {  	[tilespmem:$0x420] =	vst v0  }
0x13: {  	[tilespmem:$0x430] =	vst v0  }
0x14: {  	_ =	swait.ge [sflag:s9], $0x200  }
0x15: {  	[sflag:s9] =	ssyncset.done $0x0  }
0x16: {  	[sflag:s9] =	ssyncadd.s32 $0xFFFFFE00  }
0x17: {  	v2 =	vld [tilespmem:$0x200];
	_ =	sdelay $0x7  }
0x18: {  	[tilespmem:v2+s10+$0x0] =	vst.idx.msk $0xffff, v1  }
0x19: {  	v2 =	vld [tilespmem:$0x210];
	_ =	sdelay $0x7  }
0x1a: {  	[tilespmem:v2+s10+$0x0] =	vst.idx.msk $0xffff, v1  }
0x1b: {  	v2 =	vld [tilespmem:$0x220];
	_ =	sdelay $0x7  }
0x1c: {  	[tilespmem:v2+s10+$0x0] =	vst.idx.msk $0xffff, v1  }
0x1d: {  	v2 =	vld [tilespmem:$0x230];
	_ =	sdelay $0x7  }
0x1e: {  	[tilespmem:v2+s10+$0x0] =	vst.idx.msk $0xffff, v1  }
0x1f: {  	v2 =	vld [tilespmem:$0x240];
	_ =	sdelay $0x7  }
0x20: {  	[tilespmem:v2+s10+$0x0] =	vst.idx.msk $0xffff, v1  }
0x21: {  	v2 =	vld [tilespmem:$0x250];
	_ =	sdelay $0x7  }
0x22: {  	[tilespmem:v2+s10+$0x0] =	vst.idx.msk $0xffff, v1  }
0x23: {  	v2 =	vld [tilespmem:$0x260];
	_ =	sdelay $0x7  }
0x24: {  	[tilespmem:v2+s10+$0x0] =	vst.idx.msk $0xffff, v1  }
0x25: {  	v2 =	vld [tilespmem:$0x270];
	_ =	sdelay $0x7  }
0x26: {  	[tilespmem:v2+s10+$0x0] =	vst.idx.msk $0xffff, v1  }
0x27: {  	v2 =	vld [tilespmem:$0x280];
	_ =	sdelay $0x7  }
0x28: {  	[tilespmem:v2+s10+$0x0] =	vst.idx.msk $0xffff, v1  }
0x29: {  	v2 =	vld [tilespmem:$0x290];
	_ =	sdelay $0x7  }
0x2a: {  	[tilespmem:v2+s10+$0x0] =	vst.idx.msk $0xffff, v1  }
0x2b: {  	v2 =	vld [tilespmem:$0x2A0];
	_ =	sdelay $0x7  }
0x2c: {  	[tilespmem:v2+s10+$0x0] =	vst.idx.msk $0xffff, v1  }
0x2d: {  	v2 =	vld [tilespmem:$0x2B0];
	_ =	sdelay $0x7  }
0x2e: {  	[tilespmem:v2+s10+$0x0] =	vst.idx.msk $0xffff, v1  }
0x2f: {  	v2 =	vld [tilespmem:$0x2C0];
	_ =	sdelay $0x7  }
0x30: {  	[tilespmem:v2+s10+$0x0] =	vst.idx.msk $0xffff, v1  }
0x31: {  	v2 =	vld [tilespmem:$0x2D0];
	_ =	sdelay $0x7  }
0x32: {  	[tilespmem:v2+s10+$0x0] =	vst.idx.msk $0xffff, v1  }
0x33: {  	v2 =	vld [tilespmem:$0x2E0];
	_ =	sdelay $0x7  }
0x34: {  	[tilespmem:v2+s10+$0x0] =	vst.idx.msk $0xffff, v1  }
0x35: {  	v2 =	vld [tilespmem:$0x2F0];
	_ =	sdelay $0x7  }
0x36: {  	[tilespmem:v2+s10+$0x0] =	vst.idx.msk $0xffff, v1  }
0x37: {  	v2 =	vld [tilespmem:$0x300];
	_ =	sdelay $0x7  }
0x38: {  	[tilespmem:v2+s10+$0x0] =	vst.idx.msk $0xffff, v1  }
0x39: {  	v2 =	vld [tilespmem:$0x310];
	_ =	sdelay $0x7  }
0x3a: {  	[tilespmem:v2+s10+$0x0] =	vst.idx.msk $0xffff, v1  }
0x3b: {  	v2 =	vld [tilespmem:$0x320];
	_ =	sdelay $0x7  }
0x3c: {  	[tilespmem:v2+s10+$0x0] =	vst.idx.msk $0xffff, v1  }
0x3d: {  	v2 =	vld [tilespmem:$0x330];
	_ =	sdelay $0x7  }
0x3e: {  	[tilespmem:v2+s10+$0x0] =	vst.idx.msk $0xffff, v1  }
0x3f: {  	v2 =	vld [tilespmem:$0x340];
	_ =	sdelay $0x7  }
0x40: {  	[tilespmem:v2+s10+$0x0] =	vst.idx.msk $0xffff, v1  }
0x41: {  	v2 =	vld [tilespmem:$0x350];
	_ =	sdelay $0x7  }
0x42: {  	[tilespmem:v2+s10+$0x0] =	vst.idx.msk $0xffff, v1  }
0x43: {  	v2 =	vld [tilespmem:$0x360];
	_ =	sdelay $0x7  }
0x44: {  	[tilespmem:v2+s10+$0x0] =	vst.idx.msk $0xffff, v1  }
0x45: {  	v2 =	vld [tilespmem:$0x370];
	_ =	sdelay $0x7  }
0x46: {  	[tilespmem:v2+s10+$0x0] =	vst.idx.msk $0xffff, v1  }
0x47: {  	v2 =	vld [tilespmem:$0x380];
	_ =	sdelay $0x7  }
0x48: {  	[tilespmem:v2+s10+$0x0] =	vst.idx.msk $0xffff, v1  }
0x49: {  	v2 =	vld [tilespmem:$0x390];
	_ =	sdelay $0x7  }
0x4a: {  	[tilespmem:v2+s10+$0x0] =	vst.idx.msk $0xffff, v1  }
0x4b: {  	v2 =	vld [tilespmem:$0x3A0];
	_ =	sdelay $0x7  }
0x4c: {  	[tilespmem:v2+s10+$0x0] =	vst.idx.msk $0xffff, v1  }
0x4d: {  	v2 =	vld [tilespmem:$0x3B0];
	_ =	sdelay $0x7  }
0x4e: {  	[tilespmem:v2+s10+$0x0] =	vst.idx.msk $0xffff, v1  }
0x4f: {  	v2 =	vld [tilespmem:$0x3C0];
	_ =	sdelay $0x7  }
0x50: {  	[tilespmem:v2+s10+$0x0] =	vst.idx.msk $0xffff, v1  }
0x51: {  	v2 =	vld [tilespmem:$0x3D0];
	_ =	sdelay $0x7  }
0x52: {  	[tilespmem:v2+s10+$0x0] =	vst.idx.msk $0xffff, v1  }
0x53: {  	v2 =	vld [tilespmem:$0x3E0];
	_ =	sdelay $0x7  }
0x54: {  	[tilespmem:v2+s10+$0x0] =	vst.idx.msk $0xffff, v1  }
0x55: {  	v2 =	vld [tilespmem:$0x3F0];
	_ =	sdelay $0x7  }
0x56: {  	[tilespmem:v2+s10+$0x0] =	vst.idx.msk $0xffff, v1  }
0x57: {  	_ =	swait.ge [sflag:s11], $0x200  }
0x58: {  	[sflag:s11] =	ssyncset.done $0x0  }
0x59: {  	[sflag:s11] =	ssyncadd.s32 $0xFFFFFE00  }
0x5a: {  	v2 =	vld [tilespmem:$0x0];
	_ =	sdelay $0x1  }
0x5b: {  	v3 =	vld [tilespmem:$0x10];
	_ =	sdelay $0x1  }
0x5c: {  	v4 =	vld [tilespmem:$0x20]  }
0x5d: {  	v2 =	vadd.f32 $0.0e+00, v2  }
0x5e: {  	v5 =	vld [tilespmem:$0x30]  }
0x5f: {  	v2 =	vadd.f32 v3, v2  }
0x60: {  	v3 =	vld [tilespmem:$0x40]  }
0x61: {  	v2 =	vadd.f32 v4, v2  }
0x62: {  	v46 =	vld [tilespmem:$0x50]  }
0x63: {  	v2 =	vadd.f32 v5, v2  }
0x64: {  	v47 =	vld [tilespmem:$0x60]  }
0x65: {  	v2 =	vadd.f32 v3, v2  }
0x66: {  	v3 =	vld [tilespmem:$0x70]  }
0x67: {  	v2 =	vadd.f32 v46, v2  }
0x68: {  	v48 =	vld [tilespmem:$0x80]  }
0x69: {  	v2 =	vadd.f32 v47, v2  }
0x6a: {  	v49 =	vld [tilespmem:$0x90]  }
0x6b: {  	v2 =	vadd.f32 v3, v2  }
0x6c: {  	v3 =	vld [tilespmem:$0xA0]  }
0x6d: {  	v2 =	vadd.f32 v48, v2  }
0x6e: {  	v50 =	vld [tilespmem:$0xB0]  }
0x6f: {  	v2 =	vadd.f32 v49, v2  }
0x70: {  	v51 =	vld [tilespmem:$0xC0]  }
0x71: {  	v2 =	vadd.f32 v3, v2  }
0x72: {  	v3 =	vld [tilespmem:$0xD0]  }
0x73: {  	v2 =	vadd.f32 v50, v2  }
0x74: {  	v52 =	vld [tilespmem:$0xE0]  }
0x75: {  	v2 =	vadd.f32 v51, v2  }
0x76: {  	v53 =	vld [tilespmem:$0xF0]  }
0x77: {  	v2 =	vadd.f32 v3, v2  }
0x78: {  	v3 =	vld [tilespmem:$0x100]  }
0x79: {  	v2 =	vadd.f32 v52, v2  }
0x7a: {  	v54 =	vld [tilespmem:$0x110]  }
0x7b: {  	v2 =	vadd.f32 v53, v2  }
0x7c: {  	v55 =	vld [tilespmem:$0x120]  }
0x7d: {  	v2 =	vadd.f32 v3, v2  }
0x7e: {  	v3 =	vld [tilespmem:$0x130]  }
0x7f: {  	v2 =	vadd.f32 v54, v2  }
0x80: {  	v56 =	vld [tilespmem:$0x140]  }
0x81: {  	v2 =	vadd.f32 v55, v2  }
0x82: {  	v57 =	vld [tilespmem:$0x150]  }
0x83: {  	v2 =	vadd.f32 v3, v2  }
0x84: {  	v3 =	vld [tilespmem:$0x160]  }
0x85: {  	v2 =	vadd.f32 v56, v2  }
0x86: {  	v58 =	vld [tilespmem:$0x170]  }
0x87: {  	v2 =	vadd.f32 v57, v2  }
0x88: {  	v59 =	vld [tilespmem:$0x180]  }
0x89: {  	v2 =	vadd.f32 v3, v2  }
0x8a: {  	v3 =	vld [tilespmem:$0x190]  }
0x8b: {  	v2 =	vadd.f32 v58, v2  }
0x8c: {  	v60 =	vld [tilespmem:$0x1A0]  }
0x8d: {  	v2 =	vadd.f32 v59, v2  }
0x8e: {  	v61 =	vld [tilespmem:$0x1B0]  }
0x8f: {  	v2 =	vadd.f32 v3, v2  }
0x90: {  	v3 =	vld [tilespmem:$0x1C0]  }
0x91: {  	v2 =	vadd.f32 v60, v2  }
0x92: {  	v62 =	vld [tilespmem:$0x1D0]  }
0x93: {  	v2 =	vadd.f32 v61, v2  }
0x94: {  	v63 =	vld [tilespmem:$0x1E0]  }
0x95: {  	v2 =	vadd.f32 v3, v2  }
0x96: {  	v3 =	vld [tilespmem:$0x1F0]  }
0x97: {  	v2 =	vadd.f32 v62, v2;
	_ =	sdelay $0x1  }
0x98: {  	v2 =	vadd.f32 v63, v2;
	_ =	sdelay $0x1  }
0x99: {  	v2 =	vadd.f32 v3, v2;
	_ =	sdelay $0x1  }
0x9a: {  	[tilespmem:$0x480] =	vst v2  }
0x9b: {  	[hbm4b:s5+s2] =	stream.linear.scatter [tilespmem:s10], [sflag:$0x3], $0x80, $0x38;
	[tilespmem:$0x500] =	vst v63  }
0x9c: {  	_ =	swait.ge [sflag:s12], $0x80  }
0x9d: {  	p0 =	sne.s32 s7, $0x1;
	[sflag:s12] =	ssyncset.done $0x0  }
.Ltmp0:
0x9e: {  	[sflag:s12] =	ssyncadd.s32 $0xFFFFFF80;
	(pc) =	sbr.rel @p0 .LBB2_1-.Ltmp0, $4  }
0x9f: {  	[hbm4b:s6+s2] =	stream.linear.scatter [tilespmem:s13], [sflag:$0x3], $0x80, $0x38;
	[tilespmem:$0x500] =	vst v63  }
0xa0: {  	_ =	swait.ge [sflag:s12], $0x80  }
0xa1: {  	[sflag:s12] =	ssyncset.done $0x0  }
0xa2: {  	s7 =	sadd.s32 $0xFFFFFFFF, s7;
	[sflag:s12] =	ssyncadd.s32 $0xFFFFFF80  }
0xa3: {  	_ =	sfence.sel $0x180000  }
0xa4: {  	[bflag:$0x0] =	sbarrier.arrive $0xFFFF  }
0xa5: {  	p0 =	sne.s32 s1, $0x0;
	_ =	strace $0x90000047  }
0xa6: {  	s0 =	sadd.s32 @!p0 $0x100000, s0;
	[bflag:$0x2] =	sbarrier.arrive $0xFFFF  }
0xa7: {  	[sflag:s0] =	ssyncadd.tile.s32 @!p0 $0x1;
	_ =	shalt  }
.Lfunc_end2:
_tile_overlayer_lowered:
.L_overlay_start_2:
0xa8: {  	(tag) =	ssettag $0x2  }
0xa9: {  	s0 =	rddreg [dreg:$0x0];
	s2 =	stileid.u32  }
0xaa: {  	s1 =	rddreg [dreg:$0x1];
	p0 =	sne.s32 s2, $0x0  }
0xab: {  	s3 =	rddreg [dreg:$0x2];
	[bflag:$0x3] =	sbarrier.arrive $0xFFFF;
	s2 =	simm.s32 @!p0 $0x1C03  }
0xac: {  	[timem:s3], [sflag:s2] =	dma.local @!p0 [hbm:s0], s1  }
0xad: {  	s0 =	simm.s32 @!p0 $0x3  }
0xae: {  	_ =	swait.ge @!p0 [sflag:s0], s1  }
0xaf: {  	s1 =	ssub.s32 @!p0 $0x0, s1;
	[sflag:s0] =	ssyncset.done @!p0 $0x0  }
0xb0: {  	[sflag:s0] =	ssyncadd.s32 @!p0 s1  }
0xb1: {  	[bflag:$0x3] =	sbarrier.arrive $0xFFFF  }
0xb2: {  	_ =	shalt  }

</sc_bundles>
